<compile_context>
chip_gen: v7x
topology: tpu7x:2x2x1
jax: 0.10.2.dev20260603
libtpu: 0.0.44.dev20260713+nightly
codegen_flags: <defaults>
</compile_context>

<pallas_src>
import jax
import jax.numpy as jnp
from jax import lax
from jax.experimental import pallas as pl
from jax.experimental.pallas import tpu as pltpu
from jax.experimental.pallas import tpu_sc as plsc

PRE_SEQ_LEN = 128
HIDDEN_SIZE = 2048
NUM_LAYERS = 24
EMBED_DIM = 2 * NUM_LAYERS * HIDDEN_SIZE
BATCH = 8
PREFIX_LEN = 128

NB = BATCH * PREFIX_LEN
NW = 32
ROWS = NB // NW

RPS = 1
NBUF = 2
BUF_WORDS = 49152
CD = BUF_WORDS // RPS
NCH = EMBED_DIM // CD
NSTREAM = (ROWS // RPS) * NCH


def _body(gidx_hbm, table_hbm, out_hbm, gidx_v, bufs, sgs, sss):
    wid = lax.axis_index("s") * 2 + lax.axis_index("c")
    pltpu.sync_copy(gidx_hbm.at[wid], gidx_v)

    def g_start(s, p):
        col = (s % NCH) * CD
        pltpu.async_copy(table_hbm.at[gidx_v.at[s], pl.ds(col, CD)],
                         bufs[p], sgs[p])

    def g_wait(s, p):
        col = (s % NCH) * CD
        pltpu.make_async_copy(table_hbm.at[gidx_v.at[s], pl.ds(col, CD)],
                              bufs[p], sgs[p]).wait()

    def _dst(s):
        row = wid * ROWS + (s // NCH) * RPS
        col = (s % NCH) * CD
        return out_hbm.at[pl.ds(row, RPS), pl.ds(col, CD)]

    def s_start(s, p):
        pltpu.async_copy(bufs[p], _dst(s), sss[p])

    def s_wait(s, p):
        pltpu.make_async_copy(bufs[p], _dst(s), sss[p]).wait()

    DEPTH = NBUF // 2
    for s in range(DEPTH):
        g_start(s, s % NBUF)

    @pl.loop(0, NSTREAM // NBUF)
    def _iter(g):
        for p in range(NBUF):
            s = NBUF * g + p
            g_wait(s, p)

            @pl.when(s >= DEPTH)
            def _():
                s_wait(s - DEPTH, (p - DEPTH) % NBUF)

            @pl.when(s + DEPTH < NSTREAM)
            def _():
                g_start(s + DEPTH, (p + DEPTH) % NBUF)

            s_start(s, p)

    for s in range(NSTREAM - DEPTH, NSTREAM):
        s_wait(s, s % NBUF)


@jax.jit
def _run(gidx, table):
    mesh = plsc.VectorSubcoreMesh(core_axis_name="c", subcore_axis_name="s")
    f = pl.kernel(
        _body,
        out_type=jax.ShapeDtypeStruct((NB, EMBED_DIM), jnp.float32),
        mesh=mesh,
        scratch_types=[
            pltpu.VMEM((NSTREAM, RPS), jnp.int32),
            [pltpu.VMEM((RPS, CD), jnp.float32)] * NBUF,
            [pltpu.SemaphoreType.DMA] * NBUF,
            [pltpu.SemaphoreType.DMA] * NBUF,
        ],
    )
    return f(gidx, table)


def kernel(prefix, table):
    pf = prefix.reshape(NW, ROWS // RPS, 1, RPS).astype(jnp.int32)
    gidx = jnp.broadcast_to(pf, (NW, ROWS // RPS, NCH, RPS)).reshape(
        NW, NSTREAM, RPS)
    out2 = _run(gidx, table)
    return out2.reshape(BATCH, PREFIX_LEN, EMBED_DIM)

# --- scband reference (transcript-rebuilt; emitter-appended) ---
"""Pipeline reference for scband-prefix-encoder-28724741275915 (READ-ONLY COPY).

The authoritative reference and input builder live on the scoring server;
editing this copy changes nothing except your own understanding.
"""

import jax, jax.numpy as jnp
import numpy as np

PRE_SEQ_LEN = 128
HIDDEN_SIZE = 2048
NUM_LAYERS = 24
EMBED_DIM = 2 * NUM_LAYERS * HIDDEN_SIZE  # 98304
BATCH = 8
PREFIX_LEN = 128


def setup_inputs(seed: int = 0) -> dict:
    key = jax.random.key(seed)
    k1, k2 = jax.random.split(key)
    prefix = jax.random.randint(k1, (BATCH, PREFIX_LEN), 0, PRE_SEQ_LEN, dtype=jnp.int32)
    # prefix_projection=False branch: single embedding table of shape
    # [pre_seq_len, num_hidden_layers * 2 * hidden_size], init_type='normal'
    table = jax.random.normal(k2, (PRE_SEQ_LEN, EMBED_DIM), dtype=jnp.float32)
    return {"prefix": prefix, "table": table}


def reference(prefix, table):
    # PrefixEncoder.forward with prefix_projection=False:
    # past_key_values = self.embedding(prefix)
    past_key_values = jnp.take(table, prefix, axis=0)
    return past_key_values

if __name__ == "__main__":
    import jax
    _d = setup_inputs()
    print(jax.jit(kernel)(*tuple(_d.values())))

</pallas_src>

<mosaic_0001>
#map = affine_map<(d0, d1) -> (0, 0, 0)>
#map1 = affine_map<(d0, d1) -> (0, 0)>
module attributes {stable_mosaic.version = 14 : i64} {
  func.func @_body(%arg0: i32, %arg1: i32, %arg2: memref<32x64x1xi32, #tpu.memory_space<hbm>>, %arg3: memref<128x98304xf32, #tpu.memory_space<hbm>>, %arg4: memref<1024x98304xf32, #tpu.memory_space<hbm>>, %arg5: memref<64x1xi32, #tpu.memory_space<vmem>>, %arg6: memref<1x49152xf32, #tpu.memory_space<vmem>>, %arg7: memref<1x49152xf32, #tpu.memory_space<vmem>>, %arg8: memref<!tpu.dma_semaphore, #tpu.memory_space<semaphore_mem>>, %arg9: memref<!tpu.dma_semaphore, #tpu.memory_space<semaphore_mem>>, %arg10: memref<!tpu.dma_semaphore, #tpu.memory_space<semaphore_mem>>, %arg11: memref<!tpu.dma_semaphore, #tpu.memory_space<semaphore_mem>>) attributes {dimension_semantics = [#tpu.dimension_semantics<core_parallel>, #tpu.dimension_semantics<subcore_parallel>], iteration_bounds = array<i64: 2, 16>, scalar_prefetch = 0 : i64, scratch_operands = 7 : i64, tpu.core_type = #tpu.core_type<sc_vector_subcore>, window_params = [{transform_indices = #map}, {transform_indices = #map1}, {transform_indices = #map1}]} {
    %mul3A = arith.constant 2 : i32
    %mul3A_0 = arith.muli %arg1, %mul3A : i32
    %add3A = arith.addi %mul3A_0, %arg0 : i32
    "tpu.region"() ({
      %run_scoped3A = tpu.sem_alloc : memref<!tpu.dma_semaphore, #tpu.memory_space<semaphore_mem>>
      %dma_start3A_18 = arith.constant 0 : i32
      %dma_start3A_19 = arith.constant 0 : i32
      %dma_start3A_20 = tpu.memref_slice %arg2[%add3A, %dma_start3A_18, %dma_start3A_19] : memref<32x64x1xi32, #tpu.memory_space<hbm>> -> memref<1x64x1xi32, #tpu.memory_space<hbm>>
      %dma_start3A_21 = tpu.memref_squeeze %dma_start3A_20 : memref<1x64x1xi32, #tpu.memory_space<hbm>> -> memref<64x1xi32, #tpu.memory_space<hbm>>
      %dma_start3A_22 = arith.constant 0 : i32
      %dma_start3A_23 = arith.constant 0 : i32
      %dma_start3A_24 = tpu.memref_slice %arg2[%add3A, %dma_start3A_22, %dma_start3A_23] : memref<32x64x1xi32, #tpu.memory_space<hbm>> -> memref<1x64x1xi32, #tpu.memory_space<hbm>>
      %dma_start3A_25 = tpu.memref_squeeze %dma_start3A_24 : memref<1x64x1xi32, #tpu.memory_space<hbm>> -> memref<64x1xi32, #tpu.memory_space<hbm>>
      tpu.enqueue_dma source(%dma_start3A_25 : memref<64x1xi32, #tpu.memory_space<hbm>>) target(%arg5 : memref<64x1xi32, #tpu.memory_space<vmem>>) target_semaphore(%run_scoped3A : memref<!tpu.dma_semaphore, #tpu.memory_space<semaphore_mem>>)
      %dma_wait3A_26 = arith.constant 0 : i32
      %dma_wait3A_27 = arith.constant 0 : i32
      %dma_wait3A_28 = tpu.memref_slice %arg2[%add3A, %dma_wait3A_26, %dma_wait3A_27] : memref<32x64x1xi32, #tpu.memory_space<hbm>> -> memref<1x64x1xi32, #tpu.memory_space<hbm>>
      %dma_wait3A_29 = tpu.memref_squeeze %dma_wait3A_28 : memref<1x64x1xi32, #tpu.memory_space<hbm>> -> memref<64x1xi32, #tpu.memory_space<hbm>>
      %dma_wait3A_30 = arith.constant 0 : i32
      %dma_wait3A_31 = arith.constant 0 : i32
      %dma_wait3A_32 = tpu.memref_slice %arg2[%add3A, %dma_wait3A_30, %dma_wait3A_31] : memref<32x64x1xi32, #tpu.memory_space<hbm>> -> memref<1x64x1xi32, #tpu.memory_space<hbm>>
      %dma_wait3A_33 = tpu.memref_squeeze %dma_wait3A_32 : memref<1x64x1xi32, #tpu.memory_space<hbm>> -> memref<64x1xi32, #tpu.memory_space<hbm>>
      tpu.wait_dma2 semaphore(%run_scoped3A : memref<!tpu.dma_semaphore, #tpu.memory_space<semaphore_mem>>) src(%dma_wait3A_33 : memref<64x1xi32, #tpu.memory_space<hbm>>) dst(%arg5 : memref<64x1xi32, #tpu.memory_space<vmem>>)
      tpu.yield
    }) : () -> ()
    %dma_start3A = arith.constant 0 : i32
    %dma_start3A_1 = arith.constant 0 : i32
    %dma_start3A_2 = tpu.memref_slice %arg5[%dma_start3A, %dma_start3A_1] : memref<64x1xi32, #tpu.memory_space<vmem>> -> memref<1x1xi32, #tpu.memory_space<vmem>>
    %dma_start3A_3 = tpu.memref_squeeze %dma_start3A_2 : memref<1x1xi32, #tpu.memory_space<vmem>> -> memref<1xi32, #tpu.memory_space<vmem>>
    %dma_start3A_4 = arith.constant 0 : i32
    %dma_start3A_5 = arith.constant 0 : i32
    %dma_start3A_6 = tpu.memref_slice %arg3[%dma_start3A_4, %dma_start3A_5] : memref<128x98304xf32, #tpu.memory_space<hbm>> -> memref<128x49152xf32, #tpu.memory_space<hbm>>
    tpu.enqueue_indirect_dma source(%dma_start3A_6 : memref<128x49152xf32, #tpu.memory_space<hbm>>) target(%arg6 : memref<1x49152xf32, #tpu.memory_space<vmem>>) offsets(%dma_start3A_3 : memref<1xi32, #tpu.memory_space<vmem>>) semaphore(%arg8 : memref<!tpu.dma_semaphore, #tpu.memory_space<semaphore_mem>>)
    %scan3A = arith.constant 0 : i32
    %scan3A_7 = arith.constant 32 : i32
    %scan3A_8 = arith.addi %scan3A, %scan3A_7 : i32
    %scan3A_9 = arith.constant 1 : i32
    scf.for %scan3A_18 = %scan3A to %scan3A_8 step %scan3A_9  : i32 {
      %mul3A_19 = arith.constant 1 : i32
      %mul3A_20 = arith.muli %scan3A_18, %mul3A_19 : i32
      %add3A_21 = arith.constant 0 : i32
      %add3A_22 = arith.addi %add3A_21, %mul3A_20 : i32
      %mul3A_23 = arith.constant 2 : i32
      %mul3A_24 = arith.muli %mul3A_23, %add3A_22 : i32
      %add3A_25 = arith.constant 0 : i32
      %add3A_26 = arith.addi %mul3A_24, %add3A_25 : i32
      %jit3A = arith.constant 2 : i32
      %eq3A = arith.constant 0 : i32
      %eq3A_27 = arith.cmpi eq, %jit3A, %eq3A : i32
      %jit3A_28 = arith.constant 1 : i32
      %select_n3A = arith.select %eq3A_27, %jit3A_28, %jit3A : i32
      %rem3A = arith.remsi %add3A_26, %select_n3A : i32
      %ne3A = arith.constant 0 : i32
      %ne3A_29 = arith.cmpi ne, %rem3A, %ne3A : i32
      %lt3A = arith.constant 0 : i32
      %lt3A_30 = arith.cmpi slt, %rem3A, %lt3A : i32
      %lt3A_31 = arith.constant 0 : i32
      %lt3A_32 = arith.cmpi slt, %select_n3A, %lt3A_31 : i32
      %ne3A_33 = arith.xori %lt3A_30, %lt3A_32 : i1
      %and3A = arith.andi %ne3A_33, %ne3A_29 : i1
      %add3A_34 = arith.addi %rem3A, %select_n3A : i32
      %select_n3A_35 = arith.select %and3A, %add3A_34, %rem3A : i32
      %mul3A_36 = arith.constant 49152 : i32
      %mul3A_37 = arith.muli %select_n3A_35, %mul3A_36 : i32
      %dma_wait3A_38 = arith.constant 0 : i32
      %dma_wait3A_39 = tpu.memref_slice %arg5[%add3A_26, %dma_wait3A_38] : memref<64x1xi32, #tpu.memory_space<vmem>> -> memref<1x1xi32, #tpu.memory_space<vmem>>
      %dma_wait3A_40 = tpu.memref_squeeze %dma_wait3A_39 : memref<1x1xi32, #tpu.memory_space<vmem>> -> memref<1xi32, #tpu.memory_space<vmem>>
      %dma_wait3A_41 = arith.constant 0 : i32
      %dma_wait3A_42 = tpu.memref_slice %arg3[%dma_wait3A_41, %mul3A_37] : memref<128x98304xf32, #tpu.memory_space<hbm>> -> memref<128x49152xf32, #tpu.memory_space<hbm>>
      tpu.wait_indirect_dma semaphore(%arg8 : memref<!tpu.dma_semaphore, #tpu.memory_space<semaphore_mem>>) src(%dma_wait3A_42 : memref<128x49152xf32, #tpu.memory_space<hbm>>) dst(%arg6 : memref<1x49152xf32, #tpu.memory_space<vmem>>)
      %ge3A = arith.constant 1 : i32
      %ge3A_43 = arith.cmpi sge, %add3A_26, %ge3A : i32
      %convert_element_type3A = arith.extui %ge3A_43 : i1 to i32
      %cond3A = arith.constant 0 : i32
      %cond3A_44 = arith.cmpi ne, %convert_element_type3A, %cond3A : i32
      scf.if %cond3A_44 {
        %sub3A_186 = arith.constant 1 : i32
        %sub3A_187 = arith.subi %add3A_26, %sub3A_186 : i32
        %mul3A_188 = arith.constant 32 : i32
        %mul3A_189 = arith.muli %add3A, %mul3A_188 : i32
        %jit3A_190 = arith.constant 2 : i32
        %div3A_191 = arith.divsi %sub3A_187, %jit3A_190 : i32
        %sign3A_192 = arith.constant 0 : i32
        %sign3A_193 = arith.cmpi sgt, %sub3A_187, %sign3A_192 : i32
        %sign3A_194 = arith.extui %sign3A_193 : i1 to i32
        %sign3A_195 = arith.constant 0 : i32
        %sign3A_196 = arith.cmpi slt, %sub3A_187, %sign3A_195 : i32
        %sign3A_197 = arith.extui %sign3A_196 : i1 to i32
        %sign3A_198 = arith.subi %sign3A_194, %sign3A_197 : i32
        %sign3A_199 = arith.constant 0 : i32
        %sign3A_200 = arith.cmpi sgt, %jit3A_190, %sign3A_199 : i32
        %sign3A_201 = arith.extui %sign3A_200 : i1 to i32
        %sign3A_202 = arith.constant 0 : i32
        %sign3A_203 = arith.cmpi slt, %jit3A_190, %sign3A_202 : i32
        %sign3A_204 = arith.extui %sign3A_203 : i1 to i32
        %sign3A_205 = arith.subi %sign3A_201, %sign3A_204 : i32
        %ne3A_206 = arith.cmpi ne, %sign3A_198, %sign3A_205 : i32
        %rem3A_207 = arith.remsi %sub3A_187, %jit3A_190 : i32
        %ne3A_208 = arith.constant 0 : i32
        %ne3A_209 = arith.cmpi ne, %rem3A_207, %ne3A_208 : i32
        %and3A_210 = arith.andi %ne3A_206, %ne3A_209 : i1
        %sub3A_211 = arith.constant 1 : i32
        %sub3A_212 = arith.subi %div3A_191, %sub3A_211 : i32
        %select_n3A_213 = arith.select %and3A_210, %sub3A_212, %div3A_191 : i32
        %mul3A_214 = arith.constant 1 : i32
        %mul3A_215 = arith.muli %select_n3A_213, %mul3A_214 : i32
        %add3A_216 = arith.addi %mul3A_189, %mul3A_215 : i32
        %jit3A_217 = arith.constant 2 : i32
        %eq3A_218 = arith.constant 0 : i32
        %eq3A_219 = arith.cmpi eq, %jit3A_217, %eq3A_218 : i32
        %jit3A_220 = arith.constant 1 : i32
        %select_n3A_221 = arith.select %eq3A_219, %jit3A_220, %jit3A_217 : i32
        %rem3A_222 = arith.remsi %sub3A_187, %select_n3A_221 : i32
        %ne3A_223 = arith.constant 0 : i32
        %ne3A_224 = arith.cmpi ne, %rem3A_222, %ne3A_223 : i32
        %lt3A_225 = arith.constant 0 : i32
        %lt3A_226 = arith.cmpi slt, %rem3A_222, %lt3A_225 : i32
        %lt3A_227 = arith.constant 0 : i32
        %lt3A_228 = arith.cmpi slt, %select_n3A_221, %lt3A_227 : i32
        %ne3A_229 = arith.xori %lt3A_226, %lt3A_228 : i1
        %and3A_230 = arith.andi %ne3A_229, %ne3A_224 : i1
        %add3A_231 = arith.addi %rem3A_222, %select_n3A_221 : i32
        %select_n3A_232 = arith.select %and3A_230, %add3A_231, %rem3A_222 : i32
        %mul3A_233 = arith.constant 49152 : i32
        %mul3A_234 = arith.muli %select_n3A_232, %mul3A_233 : i32
        %dma_wait3A_235 = tpu.memref_slice %arg4[%add3A_216, %mul3A_234] : memref<1024x98304xf32, #tpu.memory_space<hbm>> -> memref<1x49152xf32, #tpu.memory_space<hbm>>
        %dma_wait3A_236 = tpu.memref_slice %arg4[%add3A_216, %mul3A_234] : memref<1024x98304xf32, #tpu.memory_space<hbm>> -> memref<1x49152xf32, #tpu.memory_space<hbm>>
        tpu.wait_dma2 semaphore(%arg11 : memref<!tpu.dma_semaphore, #tpu.memory_space<semaphore_mem>>) src(%arg7 : memref<1x49152xf32, #tpu.memory_space<vmem>>) dst(%dma_wait3A_236 : memref<1x49152xf32, #tpu.memory_space<hbm>>)
      } else {
      }
      %add3A_45 = arith.constant 1 : i32
      %add3A_46 = arith.addi %add3A_26, %add3A_45 : i32
      %lt3A_47 = arith.constant 64 : i32
      %lt3A_48 = arith.cmpi slt, %add3A_46, %lt3A_47 : i32
      %convert_element_type3A_49 = arith.extui %lt3A_48 : i1 to i32
      %cond3A_50 = arith.constant 0 : i32
      %cond3A_51 = arith.cmpi ne, %convert_element_type3A_49, %cond3A_50 : i32
      scf.if %cond3A_51 {
        %add3A_186 = arith.constant 1 : i32
        %add3A_187 = arith.addi %add3A_26, %add3A_186 : i32
        %jit3A_188 = arith.constant 2 : i32
        %eq3A_189 = arith.constant 0 : i32
        %eq3A_190 = arith.cmpi eq, %jit3A_188, %eq3A_189 : i32
        %jit3A_191 = arith.constant 1 : i32
        %select_n3A_192 = arith.select %eq3A_190, %jit3A_191, %jit3A_188 : i32
        %rem3A_193 = arith.remsi %add3A_187, %select_n3A_192 : i32
        %ne3A_194 = arith.constant 0 : i32
        %ne3A_195 = arith.cmpi ne, %rem3A_193, %ne3A_194 : i32
        %lt3A_196 = arith.constant 0 : i32
        %lt3A_197 = arith.cmpi slt, %rem3A_193, %lt3A_196 : i32
        %lt3A_198 = arith.constant 0 : i32
        %lt3A_199 = arith.cmpi slt, %select_n3A_192, %lt3A_198 : i32
        %ne3A_200 = arith.xori %lt3A_197, %lt3A_199 : i1
        %and3A_201 = arith.andi %ne3A_200, %ne3A_195 : i1
        %add3A_202 = arith.addi %rem3A_193, %select_n3A_192 : i32
        %select_n3A_203 = arith.select %and3A_201, %add3A_202, %rem3A_193 : i32
        %mul3A_204 = arith.constant 49152 : i32
        %mul3A_205 = arith.muli %select_n3A_203, %mul3A_204 : i32
        %dma_start3A_206 = arith.constant 0 : i32
        %dma_start3A_207 = tpu.memref_slice %arg5[%add3A_187, %dma_start3A_206] : memref<64x1xi32, #tpu.memory_space<vmem>> -> memref<1x1xi32, #tpu.memory_space<vmem>>
        %dma_start3A_208 = tpu.memref_squeeze %dma_start3A_207 : memref<1x1xi32, #tpu.memory_space<vmem>> -> memref<1xi32, #tpu.memory_space<vmem>>
        %dma_start3A_209 = arith.constant 0 : i32
        %dma_start3A_210 = tpu.memref_slice %arg3[%dma_start3A_209, %mul3A_205] : memref<128x98304xf32, #tpu.memory_space<hbm>> -> memref<128x49152xf32, #tpu.memory_space<hbm>>
        tpu.enqueue_indirect_dma source(%dma_start3A_210 : memref<128x49152xf32, #tpu.memory_space<hbm>>) target(%arg7 : memref<1x49152xf32, #tpu.memory_space<vmem>>) offsets(%dma_start3A_208 : memref<1xi32, #tpu.memory_space<vmem>>) semaphore(%arg9 : memref<!tpu.dma_semaphore, #tpu.memory_space<semaphore_mem>>)
      } else {
      }
      %mul3A_52 = arith.constant 32 : i32
      %mul3A_53 = arith.muli %add3A, %mul3A_52 : i32
      %jit3A_54 = arith.constant 2 : i32
      %div3A = arith.divsi %add3A_26, %jit3A_54 : i32
      %sign3A = arith.constant 0 : i32
      %sign3A_55 = arith.cmpi sgt, %add3A_26, %sign3A : i32
      %sign3A_56 = arith.extui %sign3A_55 : i1 to i32
      %sign3A_57 = arith.constant 0 : i32
      %sign3A_58 = arith.cmpi slt, %add3A_26, %sign3A_57 : i32
      %sign3A_59 = arith.extui %sign3A_58 : i1 to i32
      %sign3A_60 = arith.subi %sign3A_56, %sign3A_59 : i32
      %sign3A_61 = arith.constant 0 : i32
      %sign3A_62 = arith.cmpi sgt, %jit3A_54, %sign3A_61 : i32
      %sign3A_63 = arith.extui %sign3A_62 : i1 to i32
      %sign3A_64 = arith.constant 0 : i32
      %sign3A_65 = arith.cmpi slt, %jit3A_54, %sign3A_64 : i32
      %sign3A_66 = arith.extui %sign3A_65 : i1 to i32
      %sign3A_67 = arith.subi %sign3A_63, %sign3A_66 : i32
      %ne3A_68 = arith.cmpi ne, %sign3A_60, %sign3A_67 : i32
      %rem3A_69 = arith.remsi %add3A_26, %jit3A_54 : i32
      %ne3A_70 = arith.constant 0 : i32
      %ne3A_71 = arith.cmpi ne, %rem3A_69, %ne3A_70 : i32
      %and3A_72 = arith.andi %ne3A_68, %ne3A_71 : i1
      %sub3A = arith.constant 1 : i32
      %sub3A_73 = arith.subi %div3A, %sub3A : i32
      %select_n3A_74 = arith.select %and3A_72, %sub3A_73, %div3A : i32
      %mul3A_75 = arith.constant 1 : i32
      %mul3A_76 = arith.muli %select_n3A_74, %mul3A_75 : i32
      %add3A_77 = arith.addi %mul3A_53, %mul3A_76 : i32
      %jit3A_78 = arith.constant 2 : i32
      %eq3A_79 = arith.constant 0 : i32
      %eq3A_80 = arith.cmpi eq, %jit3A_78, %eq3A_79 : i32
      %jit3A_81 = arith.constant 1 : i32
      %select_n3A_82 = arith.select %eq3A_80, %jit3A_81, %jit3A_78 : i32
      %rem3A_83 = arith.remsi %add3A_26, %select_n3A_82 : i32
      %ne3A_84 = arith.constant 0 : i32
      %ne3A_85 = arith.cmpi ne, %rem3A_83, %ne3A_84 : i32
      %lt3A_86 = arith.constant 0 : i32
      %lt3A_87 = arith.cmpi slt, %rem3A_83, %lt3A_86 : i32
      %lt3A_88 = arith.constant 0 : i32
      %lt3A_89 = arith.cmpi slt, %select_n3A_82, %lt3A_88 : i32
      %ne3A_90 = arith.xori %lt3A_87, %lt3A_89 : i1
      %and3A_91 = arith.andi %ne3A_90, %ne3A_85 : i1
      %add3A_92 = arith.addi %rem3A_83, %select_n3A_82 : i32
      %select_n3A_93 = arith.select %and3A_91, %add3A_92, %rem3A_83 : i32
      %mul3A_94 = arith.constant 49152 : i32
      %mul3A_95 = arith.muli %select_n3A_93, %mul3A_94 : i32
      %dma_start3A_96 = tpu.memref_slice %arg4[%add3A_77, %mul3A_95] : memref<1024x98304xf32, #tpu.memory_space<hbm>> -> memref<1x49152xf32, #tpu.memory_space<hbm>>
      %dma_start3A_97 = tpu.memref_slice %arg4[%add3A_77, %mul3A_95] : memref<1024x98304xf32, #tpu.memory_space<hbm>> -> memref<1x49152xf32, #tpu.memory_space<hbm>>
      tpu.enqueue_dma source(%arg6 : memref<1x49152xf32, #tpu.memory_space<vmem>>) target(%dma_start3A_97 : memref<1x49152xf32, #tpu.memory_space<hbm>>) target_semaphore(%arg10 : memref<!tpu.dma_semaphore, #tpu.memory_space<semaphore_mem>>)
      %mul3A_98 = arith.constant 2 : i32
      %mul3A_99 = arith.muli %mul3A_98, %add3A_22 : i32
      %add3A_100 = arith.constant 1 : i32
      %add3A_101 = arith.addi %mul3A_99, %add3A_100 : i32
      %jit3A_102 = arith.constant 2 : i32
      %eq3A_103 = arith.constant 0 : i32
      %eq3A_104 = arith.cmpi eq, %jit3A_102, %eq3A_103 : i32
      %jit3A_105 = arith.constant 1 : i32
      %select_n3A_106 = arith.select %eq3A_104, %jit3A_105, %jit3A_102 : i32
      %rem3A_107 = arith.remsi %add3A_101, %select_n3A_106 : i32
      %ne3A_108 = arith.constant 0 : i32
      %ne3A_109 = arith.cmpi ne, %rem3A_107, %ne3A_108 : i32
      %lt3A_110 = arith.constant 0 : i32
      %lt3A_111 = arith.cmpi slt, %rem3A_107, %lt3A_110 : i32
      %lt3A_112 = arith.constant 0 : i32
      %lt3A_113 = arith.cmpi slt, %select_n3A_106, %lt3A_112 : i32
      %ne3A_114 = arith.xori %lt3A_111, %lt3A_113 : i1
      %and3A_115 = arith.andi %ne3A_114, %ne3A_109 : i1
      %add3A_116 = arith.addi %rem3A_107, %select_n3A_106 : i32
      %select_n3A_117 = arith.select %and3A_115, %add3A_116, %rem3A_107 : i32
      %mul3A_118 = arith.constant 49152 : i32
      %mul3A_119 = arith.muli %select_n3A_117, %mul3A_118 : i32
      %dma_wait3A_120 = arith.constant 0 : i32
      %dma_wait3A_121 = tpu.memref_slice %arg5[%add3A_101, %dma_wait3A_120] : memref<64x1xi32, #tpu.memory_space<vmem>> -> memref<1x1xi32, #tpu.memory_space<vmem>>
      %dma_wait3A_122 = tpu.memref_squeeze %dma_wait3A_121 : memref<1x1xi32, #tpu.memory_space<vmem>> -> memref<1xi32, #tpu.memory_space<vmem>>
      %dma_wait3A_123 = arith.constant 0 : i32
      %dma_wait3A_124 = tpu.memref_slice %arg3[%dma_wait3A_123, %mul3A_119] : memref<128x98304xf32, #tpu.memory_space<hbm>> -> memref<128x49152xf32, #tpu.memory_space<hbm>>
      tpu.wait_indirect_dma semaphore(%arg9 : memref<!tpu.dma_semaphore, #tpu.memory_space<semaphore_mem>>) src(%dma_wait3A_124 : memref<128x49152xf32, #tpu.memory_space<hbm>>) dst(%arg7 : memref<1x49152xf32, #tpu.memory_space<vmem>>)
      %ge3A_125 = arith.constant 1 : i32
      %ge3A_126 = arith.cmpi sge, %add3A_101, %ge3A_125 : i32
      %convert_element_type3A_127 = arith.extui %ge3A_126 : i1 to i32
      %cond3A_128 = arith.constant 0 : i32
      %cond3A_129 = arith.cmpi ne, %convert_element_type3A_127, %cond3A_128 : i32
      scf.if %cond3A_129 {
        %sub3A_186 = arith.constant 1 : i32
        %sub3A_187 = arith.subi %add3A_101, %sub3A_186 : i32
        %mul3A_188 = arith.constant 32 : i32
        %mul3A_189 = arith.muli %add3A, %mul3A_188 : i32
        %jit3A_190 = arith.constant 2 : i32
        %div3A_191 = arith.divsi %sub3A_187, %jit3A_190 : i32
        %sign3A_192 = arith.constant 0 : i32
        %sign3A_193 = arith.cmpi sgt, %sub3A_187, %sign3A_192 : i32
        %sign3A_194 = arith.extui %sign3A_193 : i1 to i32
        %sign3A_195 = arith.constant 0 : i32
        %sign3A_196 = arith.cmpi slt, %sub3A_187, %sign3A_195 : i32
        %sign3A_197 = arith.extui %sign3A_196 : i1 to i32
        %sign3A_198 = arith.subi %sign3A_194, %sign3A_197 : i32
        %sign3A_199 = arith.constant 0 : i32
        %sign3A_200 = arith.cmpi sgt, %jit3A_190, %sign3A_199 : i32
        %sign3A_201 = arith.extui %sign3A_200 : i1 to i32
        %sign3A_202 = arith.constant 0 : i32
        %sign3A_203 = arith.cmpi slt, %jit3A_190, %sign3A_202 : i32
        %sign3A_204 = arith.extui %sign3A_203 : i1 to i32
        %sign3A_205 = arith.subi %sign3A_201, %sign3A_204 : i32
        %ne3A_206 = arith.cmpi ne, %sign3A_198, %sign3A_205 : i32
        %rem3A_207 = arith.remsi %sub3A_187, %jit3A_190 : i32
        %ne3A_208 = arith.constant 0 : i32
        %ne3A_209 = arith.cmpi ne, %rem3A_207, %ne3A_208 : i32
        %and3A_210 = arith.andi %ne3A_206, %ne3A_209 : i1
        %sub3A_211 = arith.constant 1 : i32
        %sub3A_212 = arith.subi %div3A_191, %sub3A_211 : i32
        %select_n3A_213 = arith.select %and3A_210, %sub3A_212, %div3A_191 : i32
        %mul3A_214 = arith.constant 1 : i32
        %mul3A_215 = arith.muli %select_n3A_213, %mul3A_214 : i32
        %add3A_216 = arith.addi %mul3A_189, %mul3A_215 : i32
        %jit3A_217 = arith.constant 2 : i32
        %eq3A_218 = arith.constant 0 : i32
        %eq3A_219 = arith.cmpi eq, %jit3A_217, %eq3A_218 : i32
        %jit3A_220 = arith.constant 1 : i32
        %select_n3A_221 = arith.select %eq3A_219, %jit3A_220, %jit3A_217 : i32
        %rem3A_222 = arith.remsi %sub3A_187, %select_n3A_221 : i32
        %ne3A_223 = arith.constant 0 : i32
        %ne3A_224 = arith.cmpi ne, %rem3A_222, %ne3A_223 : i32
        %lt3A_225 = arith.constant 0 : i32
        %lt3A_226 = arith.cmpi slt, %rem3A_222, %lt3A_225 : i32
        %lt3A_227 = arith.constant 0 : i32
        %lt3A_228 = arith.cmpi slt, %select_n3A_221, %lt3A_227 : i32
        %ne3A_229 = arith.xori %lt3A_226, %lt3A_228 : i1
        %and3A_230 = arith.andi %ne3A_229, %ne3A_224 : i1
        %add3A_231 = arith.addi %rem3A_222, %select_n3A_221 : i32
        %select_n3A_232 = arith.select %and3A_230, %add3A_231, %rem3A_222 : i32
        %mul3A_233 = arith.constant 49152 : i32
        %mul3A_234 = arith.muli %select_n3A_232, %mul3A_233 : i32
        %dma_wait3A_235 = tpu.memref_slice %arg4[%add3A_216, %mul3A_234] : memref<1024x98304xf32, #tpu.memory_space<hbm>> -> memref<1x49152xf32, #tpu.memory_space<hbm>>
        %dma_wait3A_236 = tpu.memref_slice %arg4[%add3A_216, %mul3A_234] : memref<1024x98304xf32, #tpu.memory_space<hbm>> -> memref<1x49152xf32, #tpu.memory_space<hbm>>
        tpu.wait_dma2 semaphore(%arg10 : memref<!tpu.dma_semaphore, #tpu.memory_space<semaphore_mem>>) src(%arg6 : memref<1x49152xf32, #tpu.memory_space<vmem>>) dst(%dma_wait3A_236 : memref<1x49152xf32, #tpu.memory_space<hbm>>)
      } else {
      }
      %add3A_130 = arith.constant 1 : i32
      %add3A_131 = arith.addi %add3A_101, %add3A_130 : i32
      %lt3A_132 = arith.constant 64 : i32
      %lt3A_133 = arith.cmpi slt, %add3A_131, %lt3A_132 : i32
      %convert_element_type3A_134 = arith.extui %lt3A_133 : i1 to i32
      %cond3A_135 = arith.constant 0 : i32
      %cond3A_136 = arith.cmpi ne, %convert_element_type3A_134, %cond3A_135 : i32
      scf.if %cond3A_136 {
        %add3A_186 = arith.constant 1 : i32
        %add3A_187 = arith.addi %add3A_101, %add3A_186 : i32
        %jit3A_188 = arith.constant 2 : i32
        %eq3A_189 = arith.constant 0 : i32
        %eq3A_190 = arith.cmpi eq, %jit3A_188, %eq3A_189 : i32
        %jit3A_191 = arith.constant 1 : i32
        %select_n3A_192 = arith.select %eq3A_190, %jit3A_191, %jit3A_188 : i32
        %rem3A_193 = arith.remsi %add3A_187, %select_n3A_192 : i32
        %ne3A_194 = arith.constant 0 : i32
        %ne3A_195 = arith.cmpi ne, %rem3A_193, %ne3A_194 : i32
        %lt3A_196 = arith.constant 0 : i32
        %lt3A_197 = arith.cmpi slt, %rem3A_193, %lt3A_196 : i32
        %lt3A_198 = arith.constant 0 : i32
        %lt3A_199 = arith.cmpi slt, %select_n3A_192, %lt3A_198 : i32
        %ne3A_200 = arith.xori %lt3A_197, %lt3A_199 : i1
        %and3A_201 = arith.andi %ne3A_200, %ne3A_195 : i1
        %add3A_202 = arith.addi %rem3A_193, %select_n3A_192 : i32
        %select_n3A_203 = arith.select %and3A_201, %add3A_202, %rem3A_193 : i32
        %mul3A_204 = arith.constant 49152 : i32
        %mul3A_205 = arith.muli %select_n3A_203, %mul3A_204 : i32
        %dma_start3A_206 = arith.constant 0 : i32
        %dma_start3A_207 = tpu.memref_slice %arg5[%add3A_187, %dma_start3A_206] : memref<64x1xi32, #tpu.memory_space<vmem>> -> memref<1x1xi32, #tpu.memory_space<vmem>>
        %dma_start3A_208 = tpu.memref_squeeze %dma_start3A_207 : memref<1x1xi32, #tpu.memory_space<vmem>> -> memref<1xi32, #tpu.memory_space<vmem>>
        %dma_start3A_209 = arith.constant 0 : i32
        %dma_start3A_210 = tpu.memref_slice %arg3[%dma_start3A_209, %mul3A_205] : memref<128x98304xf32, #tpu.memory_space<hbm>> -> memref<128x49152xf32, #tpu.memory_space<hbm>>
        tpu.enqueue_indirect_dma source(%dma_start3A_210 : memref<128x49152xf32, #tpu.memory_space<hbm>>) target(%arg6 : memref<1x49152xf32, #tpu.memory_space<vmem>>) offsets(%dma_start3A_208 : memref<1xi32, #tpu.memory_space<vmem>>) semaphore(%arg8 : memref<!tpu.dma_semaphore, #tpu.memory_space<semaphore_mem>>)
      } else {
      }
      %mul3A_137 = arith.constant 32 : i32
      %mul3A_138 = arith.muli %add3A, %mul3A_137 : i32
      %jit3A_139 = arith.constant 2 : i32
      %div3A_140 = arith.divsi %add3A_101, %jit3A_139 : i32
      %sign3A_141 = arith.constant 0 : i32
      %sign3A_142 = arith.cmpi sgt, %add3A_101, %sign3A_141 : i32
      %sign3A_143 = arith.extui %sign3A_142 : i1 to i32
      %sign3A_144 = arith.constant 0 : i32
      %sign3A_145 = arith.cmpi slt, %add3A_101, %sign3A_144 : i32
      %sign3A_146 = arith.extui %sign3A_145 : i1 to i32
      %sign3A_147 = arith.subi %sign3A_143, %sign3A_146 : i32
      %sign3A_148 = arith.constant 0 : i32
      %sign3A_149 = arith.cmpi sgt, %jit3A_139, %sign3A_148 : i32
      %sign3A_150 = arith.extui %sign3A_149 : i1 to i32
      %sign3A_151 = arith.constant 0 : i32
      %sign3A_152 = arith.cmpi slt, %jit3A_139, %sign3A_151 : i32
      %sign3A_153 = arith.extui %sign3A_152 : i1 to i32
      %sign3A_154 = arith.subi %sign3A_150, %sign3A_153 : i32
      %ne3A_155 = arith.cmpi ne, %sign3A_147, %sign3A_154 : i32
      %rem3A_156 = arith.remsi %add3A_101, %jit3A_139 : i32
      %ne3A_157 = arith.constant 0 : i32
      %ne3A_158 = arith.cmpi ne, %rem3A_156, %ne3A_157 : i32
      %and3A_159 = arith.andi %ne3A_155, %ne3A_158 : i1
      %sub3A_160 = arith.constant 1 : i32
      %sub3A_161 = arith.subi %div3A_140, %sub3A_160 : i32
      %select_n3A_162 = arith.select %and3A_159, %sub3A_161, %div3A_140 : i32
      %mul3A_163 = arith.constant 1 : i32
      %mul3A_164 = arith.muli %select_n3A_162, %mul3A_163 : i32
      %add3A_165 = arith.addi %mul3A_138, %mul3A_164 : i32
      %jit3A_166 = arith.constant 2 : i32
      %eq3A_167 = arith.constant 0 : i32
      %eq3A_168 = arith.cmpi eq, %jit3A_166, %eq3A_167 : i32
      %jit3A_169 = arith.constant 1 : i32
      %select_n3A_170 = arith.select %eq3A_168, %jit3A_169, %jit3A_166 : i32
      %rem3A_171 = arith.remsi %add3A_101, %select_n3A_170 : i32
      %ne3A_172 = arith.constant 0 : i32
      %ne3A_173 = arith.cmpi ne, %rem3A_171, %ne3A_172 : i32
      %lt3A_174 = arith.constant 0 : i32
      %lt3A_175 = arith.cmpi slt, %rem3A_171, %lt3A_174 : i32
      %lt3A_176 = arith.constant 0 : i32
      %lt3A_177 = arith.cmpi slt, %select_n3A_170, %lt3A_176 : i32
      %ne3A_178 = arith.xori %lt3A_175, %lt3A_177 : i1
      %and3A_179 = arith.andi %ne3A_178, %ne3A_173 : i1
      %add3A_180 = arith.addi %rem3A_171, %select_n3A_170 : i32
      %select_n3A_181 = arith.select %and3A_179, %add3A_180, %rem3A_171 : i32
      %mul3A_182 = arith.constant 49152 : i32
      %mul3A_183 = arith.muli %select_n3A_181, %mul3A_182 : i32
      %dma_start3A_184 = tpu.memref_slice %arg4[%add3A_165, %mul3A_183] : memref<1024x98304xf32, #tpu.memory_space<hbm>> -> memref<1x49152xf32, #tpu.memory_space<hbm>>
      %dma_start3A_185 = tpu.memref_slice %arg4[%add3A_165, %mul3A_183] : memref<1024x98304xf32, #tpu.memory_space<hbm>> -> memref<1x49152xf32, #tpu.memory_space<hbm>>
      tpu.enqueue_dma source(%arg7 : memref<1x49152xf32, #tpu.memory_space<vmem>>) target(%dma_start3A_185 : memref<1x49152xf32, #tpu.memory_space<hbm>>) target_semaphore(%arg11 : memref<!tpu.dma_semaphore, #tpu.memory_space<semaphore_mem>>)
    }
    %scan3A_10 = arith.constant 32 : i32
    %mul3A_11 = arith.constant 32 : i32
    %mul3A_12 = arith.muli %add3A, %mul3A_11 : i32
    %add3A_13 = arith.constant 31 : i32
    %add3A_14 = arith.addi %mul3A_12, %add3A_13 : i32
    %dma_wait3A = arith.constant 49152 : i32
    %dma_wait3A_15 = tpu.memref_slice %arg4[%add3A_14, %dma_wait3A] : memref<1024x98304xf32, #tpu.memory_space<hbm>> -> memref<1x49152xf32, #tpu.memory_space<hbm>>
    %dma_wait3A_16 = arith.constant 49152 : i32
    %dma_wait3A_17 = tpu.memref_slice %arg4[%add3A_14, %dma_wait3A_16] : memref<1024x98304xf32, #tpu.memory_space<hbm>> -> memref<1x49152xf32, #tpu.memory_space<hbm>>
    tpu.wait_dma2 semaphore(%arg11 : memref<!tpu.dma_semaphore, #tpu.memory_space<semaphore_mem>>) src(%arg7 : memref<1x49152xf32, #tpu.memory_space<vmem>>) dst(%dma_wait3A_17 : memref<1x49152xf32, #tpu.memory_space<hbm>>)
    return
  }
}

</mosaic_0001>

<sc_bundles>
// kernel: _run.3.cloned.1.call-start
scs
__scs_entry_jumppad:
0x0: {  	(pc) =	sbr.rel $0x88, $3  }
0x1: {  	(tag) =	ssettag $0x0;
	lr =	simm.s32 $0x1  }
0x2: {  	[smem:$0x3F9F] =	sst lr;
	_ =	strace $0xD0000000  }
0x3: {  	_ = 	snop  }
0x4: {  	_ = 	snop  }
0x5: {  	_ = 	snop  }
0x6: {  	_ = 	snop  }
0x7: {  	_ = 	snop  }
__scs_overlays_trampoline_lowered:
0x8: {  	[smem:$0x3FAE] =	sst s0  }
0x9: {  	[smem:$0x3FAF] =	sst s1  }
0xa: {  	[smem:$0x3FB0] =	sst s2  }
0xb: {  	[smem:$0x3FB1] =	sst s3  }
0xc: {  	[smem:$0x3FB2] =	sst s4  }
0xd: {  	[smem:$0x3FB3] =	sst s5  }
0xe: {  	[smem:$0x3FB4] =	sst s6  }
0xf: {  	[smem:$0x3FB5] =	sst s7  }
0x10: {  	[smem:$0x3FB6] =	sst s8  }
0x11: {  	[smem:$0x3FB7] =	sst s9;
	s0 =	simm.s32 @!p0 $0x0  }
0x12: {  	s1 =	sld [smem:$0x3F9D];
	s0 =	simm.s32 @p0 $0x1  }
0x13: {  	[smem:$0x3FB8] =	sst s0;
	s0 =	simm.s32 @!p1 $0x0  }
0x14: {  	s2 =	sld [smem:$0x3F9C];
	s0 =	simm.s32 @p1 $0x1  }
0x15: {  	[smem:$0x3FB9] =	sst s0;
	s0 =	simm.s32 @!p2 $0x0  }
0x16: {  	s3 =	sld [smem:$0x3FDB];
	s0 =	simm.s32 @p2 $0x1  }
0x17: {  	s4 =	simm.s32 $0x1BF5;
	[smem:$0x3FBB] =	sst s0  }
0x18: {  	s0 =	sld [smem:$0x3F9E];
	_ =	swait.ge [sflag:s4], $0x0  }
0x19: {  	s7 =	sld [smem:$0x3F9F]  }
0x1a: {  	s8 =	sadd.s32 $0xFFFFE003, lr  }
0x1b: {  	s9 =	sadd.s32 $0xFFFFFEF7, lr;
	s5 =	simm.s32 $0xFFFFFFFF;
	p2 =	slt.u32 s8, $0xFFFFF086  }
0x1c: {  	p1 =	slt.u32 s9, $0xF7A;
	s5 =	simm.s32 @!p2 $0x0  }
0x1d: {  	s5 =	simm.s32 @p1 $0x1;
	p0 =	seq.s32 s7, s2  }
0x1e: {  	s7 =	smul.u32 @!p0 $0xF7A, s2;
	p2 =	seq.s32 @!p0 s5, $0x0  }
0x1f: {  	s9 =	smul.u32 $0xF7A, s1;
	s8 =	simm.s32 @!p0 $0x1BF5;
	p2 =	por !p2, p0  }
0x20: {  	[sflag:s8] =	ssyncset.s32 @!p0 $0xFFFFF086;
	s6 =	sadd.s32 @!p0 s3, s7;
	s7 =	simm.s32 @!p0 $0x108  }
0x21: {  	s3 =	sadd.s32 s3, s9;
	s6 =	sadd.s32 @!p0 $0x88, s6;
	s7 =	simm.s32 @p2 $0x1082  }
0x22: {  	[simem:s7], [sflag:s8] =	dma.local @!p0 [hbm:s6], $0xF7A  }
0x23: {  	s9 =	sor.u32 $0xD0000000, s2;
	s6 =	simm.s32 $0x108;
	_ =	swait.ge @!p0 [sflag:s8], $0x0  }
0x24: {  	s3 =	sadd.s32 $0x88, s3;
	s6 =	simm.s32 @!p1 $0x1082;
	[sflag:s4] =	ssyncset.s32 $0xFFFFF086  }
0x25: {  	[simem:s6], [sflag:s4] =	dma.local [hbm:s3], $0xF7A  }
0x26: {  	[smem:$0x3F9F] =	sst s1;
	(tag) =	ssettag s2;
	_ =	strace s9  }
0x27: {  	s1 =	sld [smem:$0x3FAF]  }
0x28: {  	s2 =	sld [smem:$0x3FB0]  }
0x29: {  	s4 =	sld [smem:$0x3FB2]  }
0x2a: {  	p0 =	seq.s32 s5, $0x0;
	s5 =	sld [smem:$0x3FB3]  }
0x2b: {  	s6 =	sld [smem:$0x3FB4]  }
0x2c: {  	s7 =	sld [smem:$0x3FB5]  }
0x2d: {  	s3 =	simm.s32 $0x108;
	s8 =	sld [smem:$0x3FB6]  }
0x2e: {  	s3 =	simm.s32 @!p0 $0x1082;
	s9 =	sld [smem:$0x3FB7]  }
0x2f: {  	lr =	sadd.s32 s0, s3;
	s0 =	sld [smem:$0x3FAE]  }
0x30: {  	s3 =	sld [smem:$0x3FB1]  }
0x31: {  	[smem:$0x3FBA] =	sst s10  }
0x32: {  	s10 =	sld [smem:$0x3FB8];
	_ =	sdelay $0x3  }
0x33: {  	p0 =	seq.s32 s10, $0x1;
	s10 =	sld [smem:$0x3FBA];
	_ =	sdelay $0x3  }
0x34: {  	[smem:$0x3FBA] =	sst s10  }
0x35: {  	s10 =	sld [smem:$0x3FB9];
	_ =	sdelay $0x3  }
0x36: {  	p1 =	seq.s32 s10, $0x1;
	s10 =	sld [smem:$0x3FBA];
	_ =	sdelay $0x3  }
0x37: {  	[smem:$0x3FBA] =	sst s10  }
0x38: {  	s10 =	sld [smem:$0x3FBB]  }
0x39: {  	_ = 	snop;
	(pc) =	sbr.ind lr, $3  }
0x3a: {  	_ = 	snop  }
0x3b: {  	_ = 	snop  }
0x3c: {  	p2 =	seq.s32 s10, $0x1;
	s10 =	sld [smem:$0x3FBA]  }
0x3d: {  	_ =	shalt  }
0x3e: {  	_ =	shalt  }
0x3f: {  	_ =	shalt  }
0x40: {  	_ =	shalt  }
0x41: {  	_ =	shalt  }
0x42: {  	_ =	shalt  }
0x43: {  	_ =	shalt  }
0x44: {  	_ =	shalt  }
0x45: {  	_ =	shalt  }
0x46: {  	_ =	shalt  }
0x47: {  	_ =	shalt  }
0x48: {  	_ =	shalt  }
0x49: {  	_ =	shalt  }
0x4a: {  	_ =	shalt  }
0x4b: {  	_ =	shalt  }
0x4c: {  	_ =	shalt  }
0x4d: {  	_ =	shalt  }
0x4e: {  	_ =	shalt  }
0x4f: {  	_ =	shalt  }
0x50: {  	_ =	shalt  }
0x51: {  	_ =	shalt  }
0x52: {  	_ =	shalt  }
0x53: {  	_ =	shalt  }
0x54: {  	_ =	shalt  }
0x55: {  	_ =	shalt  }
0x56: {  	_ =	shalt  }
0x57: {  	_ =	shalt  }
0x58: {  	_ =	shalt  }
0x59: {  	_ =	shalt  }
0x5a: {  	_ =	shalt  }
0x5b: {  	_ =	shalt  }
0x5c: {  	_ =	shalt  }
0x5d: {  	_ =	shalt  }
0x5e: {  	_ =	shalt  }
0x5f: {  	_ =	shalt  }
0x60: {  	_ =	shalt  }
0x61: {  	_ =	shalt  }
0x62: {  	_ =	shalt  }
0x63: {  	_ =	shalt  }
0x64: {  	_ =	shalt  }
0x65: {  	_ =	shalt  }
0x66: {  	_ =	shalt  }
0x67: {  	_ =	shalt  }
0x68: {  	_ =	shalt  }
0x69: {  	_ =	shalt  }
0x6a: {  	_ =	shalt  }
0x6b: {  	_ =	shalt  }
0x6c: {  	_ =	shalt  }
0x6d: {  	_ =	shalt  }
0x6e: {  	_ =	shalt  }
0x6f: {  	_ =	shalt  }
0x70: {  	_ =	shalt  }
0x71: {  	_ =	shalt  }
0x72: {  	_ =	shalt  }
0x73: {  	_ =	shalt  }
0x74: {  	_ =	shalt  }
0x75: {  	_ =	shalt  }
0x76: {  	_ =	shalt  }
0x77: {  	_ =	shalt  }
0x78: {  	_ =	shalt  }
0x79: {  	_ =	shalt  }
0x7a: {  	_ =	shalt  }
0x7b: {  	_ =	shalt  }
0x7c: {  	_ =	shalt  }
0x7d: {  	_ =	shalt  }
0x7e: {  	_ =	shalt  }
0x7f: {  	_ =	shalt  }
0x80: {  	_ =	shalt  }
0x81: {  	_ =	shalt  }
0x82: {  	_ =	shalt  }
0x83: {  	_ =	shalt  }
0x84: {  	_ =	shalt  }
0x85: {  	_ =	shalt  }
0x86: {  	_ =	shalt  }
0x87: {  	_ =	shalt  }
.Lfunc_end0:
.L_simem_size_0:
called_computation_lowered:
.L_overlay_start_0:
0x88: {  	s2 =	sld [smem:$0x3FD9]  }
0x89: {  	s3 =	sld [smem:$0x3FFE];
	_ =	sdelay $0x1  }
0x8a: {  	s1 =	srdreg.scid  }
0x8b: {  	s0 =	sand.u32 $0x1, s1  }
0x8c: {  	s17 =	sshll.u32 s0, $0xA;
	s2 =	sadd.s32 s3, s2  }
0x8d: {  	s2 =	sadd.s32 s2, s17  }
0x8e: {  	[smem:$0x3FC6] =	sst s2  }
0x8f: {  	_ = 	snop  }
0x90: {  	s2 =	sld [smem:$0x3FC8]  }
0x91: {  	s18 =	sld [smem:$0x3FD0];
	(tm) =	ssettm $0x1  }
0x92: {  	s4 =	sld [smem:$0x3FFB];
	_ =	sdelay $0x3  }
0x93: {  	_ =	strace s4  }
0x94: {  	s4 =	sld [smem:$0x3FFC];
	_ =	sdelay $0x3  }
0x95: {  	_ =	strace s4  }
0x96: {  	s4 =	sld [smem:$0x3FFD];
	_ =	sdelay $0x3  }
0x97: {  	_ =	strace s4  }
0x98: {  	_ =	strace $0x8FFFFFFF  }
0x99: {  	s19 =	sld [smem:$0x3FDB];
	_ =	sdelay $0x1  }
0x9a: {  	s5 =	simm.s32 $_scs_section_size  }
0x9b: {  	s6 =	simm.s32 $_size__tile_overlayer_lowered;
	s7 =	simm.s32 $_tile_overlayer_lowered  }
0x9c: {  	s22 =	simm.s32 $0x1BFF;
	s21 =	sshll.u32 s7, $0x1;
	s4 =	sadd.s32 s5, s19  }
0x9d: {  	s8 =	simm.s32 $0x0;
	s20 =	sshll.u32 s6, $0x1;
	s6 =	sadd.s32 s21, s4  }
0x9e: {  	[timem:s8], [sflag:s22] =	dma.local [hbm:s6], s20  }
0x9f: {  	_ =	swait.ge [sflag:s22], s20  }
0xa0: {  	s5 =	ssub.s32 $0x0, s20;
	[sflag:s22] =	ssyncset.done $0x0  }
0xa1: {  	[sflag:s22] =	ssyncadd.s32 s5;
	_ =	sdelay $0x1  }
0xa2: {  	s23 =	simm.s32 $0x1B8B  }
0xa3: {  	_ =	swait.ge [sflag:s23], $0x1  }
0xa4: {  	[sflag:s23] =	ssyncset.done $0x0  }
0xa5: {  	s25 =	simm.s32 $0x1B8E;
	s24 =	sld [smem:$0x3FFE];
	[sflag:s23] =	ssyncadd.s32 $0xFFFFFFFF  }
0xa6: {  	s26 =	simm.s32 $execute0_lowered;
	[smem:$0x3FD2] =	sst s25  }
0xa7: {  	s6 =	sshll.u32 s26, $0x1;
	_ =	strace $0x80000046;
	[dreg:$0x1] =	wrdreg $0xFFFFFFFF  }
0xa8: {  	s28 =	simm.s32 $_size_execute0_lowered;
	s4 =	sadd.s32 s4, s6;
	[dreg:$0x0] =	wrdreg $0x0  }
0xa9: {  	s6 =	sshll.u32 s28, $0x1;
	[dreg:$0x2] =	wrdreg s4  }
0xaa: {  	[dreg:$0x3] =	wrdreg s6  }
0xab: {  	[dreg:$0x4] =	wrdreg $0xC0  }
0xac: {  	_ =	task [dreg:s8], $0x5FFFF  }
0xad: {  	[dreg:$0x1] =	wrdreg $0xFFFFFFFF  }
0xae: {  	[dreg:$0x0] =	wrdreg $0x60  }
0xaf: {  	[dreg:$0x2] =	wrdreg s24  }
0xb0: {  	[dreg:$0x3] =	wrdreg s2  }
0xb1: {  	[dreg:$0x4] =	wrdreg s18  }
0xb2: {  	[dreg:$0x5] =	wrdreg $0x9  }
0xb3: {  	_ =	task.clear_ibuf [dreg:s8], $0x6FFFF;
	_ =	strace $0x90000046  }
0xb4: {  	s29 =	simm.s32 $0x9;
	_ =	strace $0x80000048  }
0xb5: {  	_ =	swait.ge [sflag:s29], $0x1  }
0xb6: {  	[sflag:s29] =	ssyncadd.s32 $0xFFFFFFFF  }
0xb7: {  	_ =	strace $0x90000048  }
0xb8: {  	_ =	sfence  }
0xb9: {  	s30 =	sld [smem:$0x0];
	_ =	sdelay $0x2  }
0xba: {  	s31 =	sshll.u32 s1, $0xD;
	s1 =	sshrl.u32 s1, $0x2  }
0xbb: {  	s3 =	sand.u32 $0x4000, s31;
	s1 =	sadd.s32 s1, s30  }
0xbc: {  	s0 =	sor.u32 s3, s0;
	s1 =	sshll.u32 s1, $0x11  }
0xbd: {  	s0 =	sor.u32 s1, s0  }
0xbe: {  	s0 =	sadd.s32 $0x8F2B, s0  }
0xbf: {  	[sflag:s0] =	ssyncadd.remote.s32 $0x1  }
0xc0: {  	_ =	sfence.sel $0xFFFF  }
0xc1: {  	[dreg:$0x0] =	wrdreg $0xFFFFFFFF;
	(pc) =	sbr.abs _section_cstart, $3  }
0xc2: {  	[dreg:$0x1] =	wrdreg $0xFFFFFFFF  }
0xc3: {  	_ =	task.clear_ibuf [dreg:s8], $0x2FFFF;
	_ =	strace $0x9FFFFFFF  }
0xc4: {  	(tm) =	ssettm $0x7FFFFFFF  }
0xc5: {  	_ =	shalt  }
tec
execute0_lowered:
.L_overlay_start_1:
0x0: {  	(tag) =	ssettag $0x1  }
0x1: {  	s0 =	rddreg [dreg:$0x0]  }
0x2: {  	s8 =	rddreg [dreg:$0x1]  }
0x3: {  	s12 =	rddreg [dreg:$0x2];
	s4 =	simm.s32 $0x0  }
0x4: {  	s5 =	simm.s32 $0xE800;
	[smem:$0x7FF] =	sst s4  }
0x5: {  	s22 =	simm.s32 $0xF000;
	_ =	strace $0x80000047;
	[dreg:$0x4] =	wrdreg s5  }
0x6: {  	s23 =	simm.s32 $0xF800;
	[dreg:$0x5] =	wrdreg s22  }
0x7: {  	s24 =	simm.s32 $0x10000;
	[dreg:$0x6] =	wrdreg s23  }
0x8: {  	s1 =	srdreg.scid;
	s25 =	simm.s32 $0x10800;
	[dreg:$0x7] =	wrdreg s24  }
0x9: {  	s6 =	stileid.u32;
	s26 =	simm.s32 $0x11000;
	[dreg:$0x8] =	wrdreg s25  }
0xa: {  	s7 =	simm.s32 $0x12800;
	s9 =	simm.s32 $0x13000;
	[dreg:$0x9] =	wrdreg s26  }
0xb: {  	s10 =	simm.s32 $0x13800;
	s13 =	simm.s32 $0x14000;
	[dreg:$0xc] =	wrdreg s7  }
0xc: {  	s16 =	simm.s32 $0x14800;
	s18 =	simm.s32 $0x15000;
	[dreg:$0xd] =	wrdreg s9  }
0xd: {  	s1 =	sand.u32 $0x1, s1;
	s2 =	sshll.u32 s6, $0xB;
	[dreg:$0xe] =	wrdreg s10  }
0xe: {  	s15 =	sadd.s32 $0x800, s8;
	s11 =	sadd.s32 $0x1000, s8;
	[dreg:$0xf] =	wrdreg s13  }
0xf: {  	s17 =	sadd.s32 $0x1800, s8;
	s14 =	sadd.s32 $0x2000, s8;
	[dreg:$0x10] =	wrdreg s16  }
0x10: {  	s19 =	sadd.s32 $0x2800, s8;
	s28 =	sadd.s32 $0x5800, s8;
	[dreg:$0x11] =	wrdreg s18  }
0x11: {  	s29 =	sadd.s32 $0x6000, s8;
	s30 =	sadd.s32 $0x6800, s8;
	[smem:$0x7F8] =	sst s11  }
0x12: {  	s31 =	sadd.s32 $0x7000, s8;
	s5 =	simm.s32 $0x12000;
	[smem:$0x7F9] =	sst s14  }
0x13: {  	s3 =	sshll.u32 s1, $0xA;
	s22 =	simm.s32 $0x15800;
	[dreg:$0xb] =	wrdreg s5  }
0x14: {  	s20 =	ssub.s32 $0x2, s1;
	s25 =	simm.s32 $0x16000;
	[dreg:$0x12] =	wrdreg s22  }
0x15: {  	s23 =	sadd.s32 $0x4000, s8;
	s9 =	simm.s32 $0x17800;
	[dreg:$0x13] =	wrdreg s25  }
0x16: {  	s24 =	sadd.s32 $0x4800, s8;
	s13 =	simm.s32 $0x18000;
	[dreg:$0x16] =	wrdreg s9  }
0x17: {  	s26 =	sadd.s32 $0x5000, s8;
	s16 =	simm.s32 $0x18800;
	[dreg:$0x17] =	wrdreg s13  }
0x18: {  	s7 =	sadd.s32 $0x8000, s8;
	s18 =	simm.s32 $0x19000;
	[dreg:$0x18] =	wrdreg s16  }
0x19: {  	s10 =	sshll.u32 s6, $0x6;
	s6 =	simm.s32 $0x0;
	[dreg:$0x19] =	wrdreg s18  }
0x1a: {  	s1 =	sshll.u32 s1, $0x5;
	s2 =	sor.u32 s3, s2;
	[dreg:$0x1e] =	wrdreg s6  }
0x1b: {  	s21 =	sshrl.u32 s20, $0x1;
	s3 =	simm.s32 $0x11800;
	[smem:$0x7FB] =	sst s23  }
0x1c: {  	s25 =	sadd.s32 $0x7800, s8;
	s5 =	simm.s32 $0x17000;
	[smem:$0x7FD] =	sst s7  }
0x1d: {  	s1 =	sor.u32 s1, s10;
	s10 =	sadd.s32 $0x8800, s8;
	[dreg:$0xa] =	wrdreg s3  }
0x1e: {  	s22 =	simm.s32 $0x19800;
	s9 =	sadd.s32 $0x9000, s8;
	[dreg:$0x15] =	wrdreg s5  }
0x1f: {  	s13 =	sadd.s32 $0xA800, s8;
	s16 =	sadd.s32 $0xB000, s8;
	[dreg:$0x1c] =	wrdreg s1  }
0x20: {  	s18 =	sadd.s32 $0xB800, s8;
	s2 =	sadd.s32 s2, s0;
	[dreg:$0x1a] =	wrdreg s22  }
0x21: {  	s0 =	ssub.s32 s20, s21;
	s20 =	sadd.s32 $0x3000, s8;
	[dreg:$0x1f] =	wrdreg s9  }
0x22: {  	s21 =	sadd.s32 $0x3800, s8;
	s3 =	simm.s32 $0x16800;
	[smem:$0x7FC] =	sst s10  }
0x23: {  	s1 =	sadd.s32 $0x9800, s8;
	s22 =	simm.s32 $0x1;
	[dreg:$0x14] =	wrdreg s3  }
0x24: {  	s5 =	simm.s32 $0x2;
	s2 =	sadd.s32 $0x400, s2;
	[smem:$0x7FA] =	sst s20  }
0x25: {  	v1 =	vlaneseq.u32;
	s0 =	smax.u32 s0, $0x1;
	s3 =	simm.s32 $0x3;
	[dreg:$0x1b] =	wrdreg s2  }
0x26: {  	v0 =	vimm.s32 $0x0;
	vm0 =	vmmov $0xffff;
	v1 =	vmul.u32 $0x8, v1;
	[dreg:$0x1d] =	wrdreg s0;
	s2 =	sadd.s32 $0xA000, s8;
	s0 =	sadd.s32 $0xC000, s8  }
.LBB2_1:
0x27: {  	s6 =	rddreg [dreg:$0x1b]  }
0x28: {  	[tilespmem:s4], [sflag:$0x5] =	stream.linear.gather [hbm4b:s6+s4], $0x2000, $0x38;
	[tilespmem:$0x1A000] =	vst v63  }
0x29: {  	s6 =	simm.s32 $0x5  }
0x2a: {  	_ =	swait.ge [sflag:s6], $0x2000  }
0x2b: {  	[sflag:s6] =	ssyncset.done $0x0  }
0x2c: {  	[sflag:s6] =	ssyncadd.s32 $0xFFFFE000  }
0x2d: {  	v2 =	vld.msk [tilespmem:$0x0], $0x1;
	_ =	sdelay $0x4  }
0x2e: {  	v3 =	vshrl.u32 v2, $0x3  }
0x2f: {  	v3 =	vmul.u32 $0x1800, v3  }
0x30: {  	v2 =	vand.u32 $0x7, v2  }
0x31: {  	v2 =	vor.u32 v2, v3  }
0x32: {  	v2 =	vperm.xlane v2, v0;
	_ =	sdelay $0x1  }
0x33: {  	v2 =	vadd.s32 v1, v2;
	_ =	sdelay $0x3  }
0x34: {  	s6 =	simm.s32 $0x2000  }
0x35: {  	[tilespmem:s6], [sflag:$0x1] =	stream.indirect_vreg.gather [hbm4b:s8+s4], $0x80, v2, vm0, $0xb8;
	[tilespmem:$0x1A000] =	vst v63  }
0x36: {  	s8 =	simm.s32 $0x2800  }
0x37: {  	[tilespmem:s8], [sflag:$0x1] =	stream.indirect_vreg.gather [hbm4b:s15+s4], $0x80, v2, vm0, $0xb8;
	[tilespmem:$0x1A000] =	vst v63  }
0x38: {  	s8 =	simm.s32 $0x3000  }
0x39: {  	[tilespmem:s8], [sflag:$0x1] =	stream.indirect_vreg.gather [hbm4b:s11+s4], $0x80, v2, vm0, $0xb8;
	[tilespmem:$0x1A000] =	vst v63  }
0x3a: {  	s11 =	simm.s32 $0x3800  }
0x3b: {  	[tilespmem:s11], [sflag:$0x1] =	stream.indirect_vreg.gather [hbm4b:s17+s4], $0x80, v2, vm0, $0xb8;
	[tilespmem:$0x1A000] =	vst v63  }
0x3c: {  	s8 =	simm.s32 $0x4000  }
0x3d: {  	[tilespmem:s8], [sflag:$0x1] =	stream.indirect_vreg.gather [hbm4b:s14+s4], $0x80, v2, vm0, $0xb8;
	[tilespmem:$0x1A000] =	vst v63  }
0x3e: {  	s11 =	simm.s32 $0x4800  }
0x3f: {  	[tilespmem:s11], [sflag:$0x1] =	stream.indirect_vreg.gather [hbm4b:s19+s4], $0x80, v2, vm0, $0xb8;
	[tilespmem:$0x1A000] =	vst v63  }
0x40: {  	s14 =	simm.s32 $0x5000  }
0x41: {  	[tilespmem:s14], [sflag:$0x1] =	stream.indirect_vreg.gather [hbm4b:s20+s4], $0x80, v2, vm0, $0xb8;
	[tilespmem:$0x1A000] =	vst v63  }
0x42: {  	s8 =	simm.s32 $0x5800  }
0x43: {  	[tilespmem:s8], [sflag:$0x1] =	stream.indirect_vreg.gather [hbm4b:s21+s4], $0x80, v2, vm0, $0xb8;
	[tilespmem:$0x1A000] =	vst v63  }
0x44: {  	s11 =	simm.s32 $0x6000  }
0x45: {  	[tilespmem:s11], [sflag:$0x1] =	stream.indirect_vreg.gather [hbm4b:s23+s4], $0x80, v2, vm0, $0xb8;
	[tilespmem:$0x1A000] =	vst v63  }
0x46: {  	s14 =	simm.s32 $0x6800  }
0x47: {  	[tilespmem:s14], [sflag:$0x1] =	stream.indirect_vreg.gather [hbm4b:s24+s4], $0x80, v2, vm0, $0xb8;
	[tilespmem:$0x1A000] =	vst v63  }
0x48: {  	s20 =	simm.s32 $0x7000  }
0x49: {  	[tilespmem:s20], [sflag:$0x1] =	stream.indirect_vreg.gather [hbm4b:s26+s4], $0x80, v2, vm0, $0xb8;
	[tilespmem:$0x1A000] =	vst v63  }
0x4a: {  	s23 =	simm.s32 $0x7800  }
0x4b: {  	[tilespmem:s23], [sflag:$0x1] =	stream.indirect_vreg.gather [hbm4b:s28+s4], $0x80, v2, vm0, $0xb8;
	[tilespmem:$0x1A000] =	vst v63  }
0x4c: {  	s8 =	simm.s32 $0x8000  }
0x4d: {  	[tilespmem:s8], [sflag:$0x1] =	stream.indirect_vreg.gather [hbm4b:s29+s4], $0x80, v2, vm0, $0xb8;
	[tilespmem:$0x1A000] =	vst v63  }
0x4e: {  	s11 =	simm.s32 $0x8800  }
0x4f: {  	[tilespmem:s11], [sflag:$0x1] =	stream.indirect_vreg.gather [hbm4b:s30+s4], $0x80, v2, vm0, $0xb8;
	[tilespmem:$0x1A000] =	vst v63  }
0x50: {  	s14 =	simm.s32 $0x9000  }
0x51: {  	[tilespmem:s14], [sflag:$0x1] =	stream.indirect_vreg.gather [hbm4b:s31+s4], $0x80, v2, vm0, $0xb8;
	[tilespmem:$0x1A000] =	vst v63  }
0x52: {  	s20 =	simm.s32 $0x9800  }
0x53: {  	[tilespmem:s20], [sflag:$0x1] =	stream.indirect_vreg.gather [hbm4b:s25+s4], $0x80, v2, vm0, $0xb8;
	[tilespmem:$0x1A000] =	vst v63  }
0x54: {  	s23 =	simm.s32 $0xA000  }
0x55: {  	[tilespmem:s23], [sflag:$0x1] =	stream.indirect_vreg.gather [hbm4b:s7+s4], $0x80, v2, vm0, $0xb8;
	[tilespmem:$0x1A000] =	vst v63  }
0x56: {  	s7 =	simm.s32 $0xA800  }
0x57: {  	[tilespmem:s7], [sflag:$0x1] =	stream.indirect_vreg.gather [hbm4b:s10+s4], $0x80, v2, vm0, $0xb8;
	[tilespmem:$0x1A000] =	vst v63  }
0x58: {  	s8 =	simm.s32 $0xB000  }
0x59: {  	[tilespmem:s8], [sflag:$0x1] =	stream.indirect_vreg.gather [hbm4b:s9+s4], $0x80, v2, vm0, $0xb8;
	[tilespmem:$0x1A000] =	vst v63  }
0x5a: {  	s10 =	simm.s32 $0xB800  }
0x5b: {  	[tilespmem:s10], [sflag:$0x1] =	stream.indirect_vreg.gather [hbm4b:s1+s4], $0x80, v2, vm0, $0xb8;
	[tilespmem:$0x1A000] =	vst v63  }
0x5c: {  	s11 =	simm.s32 $0xC000  }
0x5d: {  	[tilespmem:s11], [sflag:$0x1] =	stream.indirect_vreg.gather [hbm4b:s2+s4], $0x80, v2, vm0, $0xb8;
	[tilespmem:$0x1A000] =	vst v63  }
0x5e: {  	s14 =	simm.s32 $0xC800  }
0x5f: {  	[tilespmem:s14], [sflag:$0x1] =	stream.indirect_vreg.gather [hbm4b:s13+s4], $0x80, v2, vm0, $0xb8;
	[tilespmem:$0x1A000] =	vst v63  }
0x60: {  	s6 =	simm.s32 $0x100;
	s20 =	simm.s32 $0xD000  }
0x61: {  	[tilespmem:s20], [sflag:$0x1] =	stream.indirect_vreg.gather [hbm4b:s16+s4], $0x80, v2, vm0, $0xb8;
	[tilespmem:$0x1A000] =	vst v63  }
0x62: {  	s23 =	simm.s32 $0xD800;
	s7 =	rddreg [dreg:$0x1c];
	s8 =	simm.s32 $0x0  }
0x63: {  	[tilespmem:s23], [sflag:$0x1] =	stream.indirect_vreg.gather [hbm4b:s18+s4], $0x80, v2, vm0, $0xb8;
	[tilespmem:$0x1A000] =	vst v63  }
0x64: {  	s10 =	simm.s32 $0xE000;
	s14 =	simm.s32 $0x80;
	s23 =	simm.s32 $0x400  }
.LBB2_2:
0x65: {  	_ =	swait.ge [sflag:s22], $0xC000  }
0x66: {  	p0 =	seq.s32 s8, $0x0;
	[sflag:s22] =	ssyncset.done $0x0  }
0x67: {  	s9 =	simm.s32 @!p0 $0x4;
	[sflag:s22] =	ssyncadd.s32 $0xFFFF4000  }
0x68: {  	_ =	swait.ge @!p0 [sflag:s9], $0xC000  }
0x69: {  	[sflag:s9] =	ssyncset.done @!p0 $0x0  }
0x6a: {  	[sflag:s9] =	ssyncadd.s32 @!p0 $0xFFFF4000  }
0x6b: {  	v2 =	vld.msk [tilespmem:s6+$0xFFFFFF80], $0x1;
	_ =	sdelay $0x4  }
0x6c: {  	v3 =	vshrl.u32 v2, $0x3  }
0x6d: {  	v3 =	vmul.u32 $0x1800, v3  }
0x6e: {  	v2 =	vand.u32 $0x7, v2  }
0x6f: {  	v2 =	vor.u32 v2, v3  }
0x70: {  	v2 =	vperm.xlane v2, v0;
	_ =	sdelay $0x1  }
0x71: {  	v2 =	vadd.s32 v1, v2;
	_ =	sdelay $0x4  }
0x72: {  	[tilespmem:s10], [sflag:$0x2] =	stream.indirect_vreg.gather [hbm4b:s0+s4], $0x80, v2, vm0, $0xb8;
	[tilespmem:$0x1A000] =	vst v63  }
0x73: {  	s20 =	sadd.s32 $0x800, s0;
	s9 =	rddreg [dreg:$0x4]  }
0x74: {  	[tilespmem:s9], [sflag:$0x2] =	stream.indirect_vreg.gather [hbm4b:s20+s4], $0x80, v2, vm0, $0xb8;
	[tilespmem:$0x1A000] =	vst v63  }
0x75: {  	s11 =	rddreg [dreg:$0x5];
	s20 =	sadd.s32 $0x1000, s0  }
0x76: {  	[tilespmem:s11], [sflag:$0x2] =	stream.indirect_vreg.gather [hbm4b:s20+s4], $0x80, v2, vm0, $0xb8;
	[tilespmem:$0x1A000] =	vst v63  }
0x77: {  	s10 =	rddreg [dreg:$0x6];
	s20 =	sadd.s32 $0x1800, s0  }
0x78: {  	[tilespmem:s10], [sflag:$0x2] =	stream.indirect_vreg.gather [hbm4b:s20+s4], $0x80, v2, vm0, $0xb8;
	[tilespmem:$0x1A000] =	vst v63  }
0x79: {  	s11 =	rddreg [dreg:$0x7];
	s20 =	sadd.s32 $0x2000, s0  }
0x7a: {  	[tilespmem:s11], [sflag:$0x2] =	stream.indirect_vreg.gather [hbm4b:s20+s4], $0x80, v2, vm0, $0xb8;
	[tilespmem:$0x1A000] =	vst v63  }
0x7b: {  	s10 =	rddreg [dreg:$0x8];
	s20 =	sadd.s32 $0x2800, s0  }
0x7c: {  	[tilespmem:s10], [sflag:$0x2] =	stream.indirect_vreg.gather [hbm4b:s20+s4], $0x80, v2, vm0, $0xb8;
	[tilespmem:$0x1A000] =	vst v63  }
0x7d: {  	s11 =	rddreg [dreg:$0x9];
	s20 =	sadd.s32 $0x3000, s0  }
0x7e: {  	[tilespmem:s11], [sflag:$0x2] =	stream.indirect_vreg.gather [hbm4b:s20+s4], $0x80, v2, vm0, $0xb8;
	[tilespmem:$0x1A000] =	vst v63  }
0x7f: {  	s10 =	rddreg [dreg:$0xa];
	s20 =	sadd.s32 $0x3800, s0  }
0x80: {  	[tilespmem:s10], [sflag:$0x2] =	stream.indirect_vreg.gather [hbm4b:s20+s4], $0x80, v2, vm0, $0xb8;
	[tilespmem:$0x1A000] =	vst v63  }
0x81: {  	s11 =	rddreg [dreg:$0xb];
	s20 =	sadd.s32 $0x4000, s0  }
0x82: {  	[tilespmem:s11], [sflag:$0x2] =	stream.indirect_vreg.gather [hbm4b:s20+s4], $0x80, v2, vm0, $0xb8;
	[tilespmem:$0x1A000] =	vst v63  }
0x83: {  	s10 =	rddreg [dreg:$0xc];
	s20 =	sadd.s32 $0x4800, s0  }
0x84: {  	[tilespmem:s10], [sflag:$0x2] =	stream.indirect_vreg.gather [hbm4b:s20+s4], $0x80, v2, vm0, $0xb8;
	[tilespmem:$0x1A000] =	vst v63  }
0x85: {  	s11 =	rddreg [dreg:$0xd];
	s20 =	sadd.s32 $0x5000, s0  }
0x86: {  	[tilespmem:s11], [sflag:$0x2] =	stream.indirect_vreg.gather [hbm4b:s20+s4], $0x80, v2, vm0, $0xb8;
	[tilespmem:$0x1A000] =	vst v63  }
0x87: {  	s10 =	rddreg [dreg:$0xe];
	s20 =	sadd.s32 $0x5800, s0  }
0x88: {  	[tilespmem:s10], [sflag:$0x2] =	stream.indirect_vreg.gather [hbm4b:s20+s4], $0x80, v2, vm0, $0xb8;
	[tilespmem:$0x1A000] =	vst v63  }
0x89: {  	s11 =	rddreg [dreg:$0xf];
	s20 =	sadd.s32 $0x6000, s0  }
0x8a: {  	[tilespmem:s11], [sflag:$0x2] =	stream.indirect_vreg.gather [hbm4b:s20+s4], $0x80, v2, vm0, $0xb8;
	[tilespmem:$0x1A000] =	vst v63  }
0x8b: {  	s10 =	rddreg [dreg:$0x10];
	s20 =	sadd.s32 $0x6800, s0  }
0x8c: {  	[tilespmem:s10], [sflag:$0x2] =	stream.indirect_vreg.gather [hbm4b:s20+s4], $0x80, v2, vm0, $0xb8;
	[tilespmem:$0x1A000] =	vst v63  }
0x8d: {  	s11 =	rddreg [dreg:$0x11];
	s20 =	sadd.s32 $0x7000, s0  }
0x8e: {  	[tilespmem:s11], [sflag:$0x2] =	stream.indirect_vreg.gather [hbm4b:s20+s4], $0x80, v2, vm0, $0xb8;
	[tilespmem:$0x1A000] =	vst v63  }
0x8f: {  	s10 =	rddreg [dreg:$0x12];
	s20 =	sadd.s32 $0x7800, s0  }
0x90: {  	[tilespmem:s10], [sflag:$0x2] =	stream.indirect_vreg.gather [hbm4b:s20+s4], $0x80, v2, vm0, $0xb8;
	[tilespmem:$0x1A000] =	vst v63  }
0x91: {  	s11 =	rddreg [dreg:$0x13];
	s20 =	sadd.s32 $0x8000, s0  }
0x92: {  	[tilespmem:s11], [sflag:$0x2] =	stream.indirect_vreg.gather [hbm4b:s20+s4], $0x80, v2, vm0, $0xb8;
	[tilespmem:$0x1A000] =	vst v63  }
0x93: {  	s10 =	rddreg [dreg:$0x14];
	s20 =	sadd.s32 $0x8800, s0  }
0x94: {  	[tilespmem:s10], [sflag:$0x2] =	stream.indirect_vreg.gather [hbm4b:s20+s4], $0x80, v2, vm0, $0xb8;
	[tilespmem:$0x1A000] =	vst v63  }
0x95: {  	s11 =	rddreg [dreg:$0x15];
	s20 =	sadd.s32 $0x9000, s0  }
0x96: {  	[tilespmem:s11], [sflag:$0x2] =	stream.indirect_vreg.gather [hbm4b:s20+s4], $0x80, v2, vm0, $0xb8;
	[tilespmem:$0x1A000] =	vst v63  }
0x97: {  	s10 =	rddreg [dreg:$0x16];
	s20 =	sadd.s32 $0x9800, s0  }
0x98: {  	[tilespmem:s10], [sflag:$0x2] =	stream.indirect_vreg.gather [hbm4b:s20+s4], $0x80, v2, vm0, $0xb8;
	[tilespmem:$0x1A000] =	vst v63  }
0x99: {  	s11 =	rddreg [dreg:$0x17];
	s20 =	sadd.s32 $0xA000, s0  }
0x9a: {  	[tilespmem:s11], [sflag:$0x2] =	stream.indirect_vreg.gather [hbm4b:s20+s4], $0x80, v2, vm0, $0xb8;
	[tilespmem:$0x1A000] =	vst v63  }
0x9b: {  	s10 =	rddreg [dreg:$0x18];
	s20 =	sadd.s32 $0xA800, s0  }
0x9c: {  	[tilespmem:s10], [sflag:$0x2] =	stream.indirect_vreg.gather [hbm4b:s20+s4], $0x80, v2, vm0, $0xb8;
	[tilespmem:$0x1A000] =	vst v63  }
0x9d: {  	s11 =	rddreg [dreg:$0x19];
	s20 =	sadd.s32 $0xB000, s0  }
0x9e: {  	[tilespmem:s11], [sflag:$0x2] =	stream.indirect_vreg.gather [hbm4b:s20+s4], $0x80, v2, vm0, $0xb8;
	[tilespmem:$0x1A000] =	vst v63  }
0x9f: {  	s11 =	sshrl.u32 s7, $0x3  }
0xa0: {  	s10 =	rddreg [dreg:$0x1a];
	s20 =	sadd.s32 $0xB800, s0;
	s9 =	smul.u32 $0xC0000, s11  }
0xa1: {  	[tilespmem:s10], [sflag:$0x2] =	stream.indirect_vreg.gather [hbm4b:s20+s4], $0x80, v2, vm0, $0xb8;
	[tilespmem:$0x1A000] =	vst v63  }
0xa2: {  	s10 =	sand.u32 $0x380, s8  }
0xa3: {  	s20 =	sor.u32 s10, s9  }
0xa4: {  	s11 =	sshrl.u32 s20, $0x3  }
0xa5: {  	s20 =	simm.s32 $0x2000;
	s11 =	sadd.s32 s12, s11  }
0xa6: {  	[hbm4b:s11+s14] =	stream.strided.scatter [tilespmem:s20], [sflag:$0x3], $0xC000, s23, s14, $0x38;
	[tilespmem:$0x1A000] =	vst v63  }
0xa7: {  	_ =	swait.ge [sflag:s5], $0xC000  }
0xa8: {  	[sflag:s5] =	ssyncset.done $0x0  }
0xa9: {  	[sflag:s5] =	ssyncadd.s32 $0xFFFF4000  }
0xaa: {  	_ =	swait.ge [sflag:s3], $0xC000  }
0xab: {  	[sflag:s3] =	ssyncset.done $0x0  }
0xac: {  	p0 =	seq.s32 s8, $0xF80;
	[sflag:s3] =	ssyncadd.s32 $0xFFFF4000  }
0xad: {  	v2 =	vld.msk @!p0 [tilespmem:s6+$0x0], $0x1;
	_ =	sdelay $0x4  }
0xae: {  	v3 =	vshrl.u32 @!p0 v2, $0x3  }
0xaf: {  	v3 =	vmul.u32 @!p0 $0x1800, v3  }
0xb0: {  	v2 =	vand.u32 @!p0 $0x7, v2  }
0xb1: {  	v4 =	vlaneseq.u32 @!p0;
	v2 =	vor.u32 @!p0 v2, v3;
	v3 =	vimm.s32 @!p0 $0x0  }
0xb2: {  	v2 =	vperm.xlane @!p0 v2, v3;
	v3 =	vmul.u32 @!p0 $0x8, v4;
	_ =	sdelay $0x1  }
0xb3: {  	v2 =	vadd.s32 @!p0 v3, v2;
	_ =	sdelay $0x2  }
0xb4: {  	s11 =	simm.s32 @!p0 $0x0  }
0xb5: {  	vm1 =	vmmov @!p0 $0xffff;
	s14 =	smov.u32 s12;
	s12 =	simm.s32 @!p0 $0x2000;
	s20 =	rddreg [dreg:$0x1]  }
0xb6: {  	[tilespmem:s12], [sflag:$0x1] =	stream.indirect_vreg.gather @!p0 [hbm4b:s20+s11], $0x80, v2, vm1, $0xb8;
	[tilespmem:$0x1A000] =	vst v63  }
0xb7: {  	s12 =	simm.s32 @!p0 $0x2800;
	s20 =	sld [smem:$0x7F8]  }
0xb8: {  	[tilespmem:s12], [sflag:$0x1] =	stream.indirect_vreg.gather @!p0 [hbm4b:s15+s11], $0x80, v2, vm1, $0xb8;
	[tilespmem:$0x1A000] =	vst v63  }
0xb9: {  	s12 =	simm.s32 @!p0 $0x3000  }
0xba: {  	[tilespmem:s12], [sflag:$0x1] =	stream.indirect_vreg.gather @!p0 [hbm4b:s20+s11], $0x80, v2, vm1, $0xb8;
	[tilespmem:$0x1A000] =	vst v63  }
0xbb: {  	s12 =	simm.s32 @!p0 $0x3800;
	s20 =	sld [smem:$0x7F9]  }
0xbc: {  	[tilespmem:s12], [sflag:$0x1] =	stream.indirect_vreg.gather @!p0 [hbm4b:s17+s11], $0x80, v2, vm1, $0xb8;
	[tilespmem:$0x1A000] =	vst v63  }
0xbd: {  	s12 =	simm.s32 @!p0 $0x4000  }
0xbe: {  	[tilespmem:s12], [sflag:$0x1] =	stream.indirect_vreg.gather @!p0 [hbm4b:s20+s11], $0x80, v2, vm1, $0xb8;
	[tilespmem:$0x1A000] =	vst v63  }
0xbf: {  	s12 =	simm.s32 @!p0 $0x4800;
	s20 =	sld [smem:$0x7FA]  }
0xc0: {  	[tilespmem:s12], [sflag:$0x1] =	stream.indirect_vreg.gather @!p0 [hbm4b:s19+s11], $0x80, v2, vm1, $0xb8;
	[tilespmem:$0x1A000] =	vst v63  }
0xc1: {  	s12 =	simm.s32 @!p0 $0x5000  }
0xc2: {  	[tilespmem:s12], [sflag:$0x1] =	stream.indirect_vreg.gather @!p0 [hbm4b:s20+s11], $0x80, v2, vm1, $0xb8;
	[tilespmem:$0x1A000] =	vst v63  }
0xc3: {  	s12 =	simm.s32 @!p0 $0x5800;
	s20 =	sld [smem:$0x7FB]  }
0xc4: {  	[tilespmem:s12], [sflag:$0x1] =	stream.indirect_vreg.gather @!p0 [hbm4b:s21+s11], $0x80, v2, vm1, $0xb8;
	[tilespmem:$0x1A000] =	vst v63  }
0xc5: {  	s12 =	simm.s32 @!p0 $0x6000  }
0xc6: {  	[tilespmem:s12], [sflag:$0x1] =	stream.indirect_vreg.gather @!p0 [hbm4b:s20+s11], $0x80, v2, vm1, $0xb8;
	[tilespmem:$0x1A000] =	vst v63  }
0xc7: {  	s12 =	simm.s32 @!p0 $0x6800  }
0xc8: {  	[tilespmem:s12], [sflag:$0x1] =	stream.indirect_vreg.gather @!p0 [hbm4b:s24+s11], $0x80, v2, vm1, $0xb8;
	[tilespmem:$0x1A000] =	vst v63  }
0xc9: {  	s12 =	simm.s32 @!p0 $0x7000  }
0xca: {  	[tilespmem:s12], [sflag:$0x1] =	stream.indirect_vreg.gather @!p0 [hbm4b:s26+s11], $0x80, v2, vm1, $0xb8;
	[tilespmem:$0x1A000] =	vst v63  }
0xcb: {  	s12 =	simm.s32 @!p0 $0x7800  }
0xcc: {  	[tilespmem:s12], [sflag:$0x1] =	stream.indirect_vreg.gather @!p0 [hbm4b:s28+s11], $0x80, v2, vm1, $0xb8;
	[tilespmem:$0x1A000] =	vst v63  }
0xcd: {  	s12 =	simm.s32 @!p0 $0x8000  }
0xce: {  	[tilespmem:s12], [sflag:$0x1] =	stream.indirect_vreg.gather @!p0 [hbm4b:s29+s11], $0x80, v2, vm1, $0xb8;
	[tilespmem:$0x1A000] =	vst v63  }
0xcf: {  	s12 =	simm.s32 @!p0 $0x8800  }
0xd0: {  	[tilespmem:s12], [sflag:$0x1] =	stream.indirect_vreg.gather @!p0 [hbm4b:s30+s11], $0x80, v2, vm1, $0xb8;
	[tilespmem:$0x1A000] =	vst v63  }
0xd1: {  	s12 =	simm.s32 @!p0 $0x9000  }
0xd2: {  	[tilespmem:s12], [sflag:$0x1] =	stream.indirect_vreg.gather @!p0 [hbm4b:s31+s11], $0x80, v2, vm1, $0xb8;
	[tilespmem:$0x1A000] =	vst v63  }
0xd3: {  	s20 =	sld [smem:$0x7FD];
	s12 =	simm.s32 @!p0 $0x9800  }
0xd4: {  	[tilespmem:s12], [sflag:$0x1] =	stream.indirect_vreg.gather @!p0 [hbm4b:s25+s11], $0x80, v2, vm1, $0xb8;
	[tilespmem:$0x1A000] =	vst v63  }
0xd5: {  	s12 =	simm.s32 @!p0 $0xA000  }
0xd6: {  	[tilespmem:s12], [sflag:$0x1] =	stream.indirect_vreg.gather @!p0 [hbm4b:s20+s11], $0x80, v2, vm1, $0xb8;
	[tilespmem:$0x1A000] =	vst v63  }
0xd7: {  	s20 =	sld [smem:$0x7FC];
	_ =	sdelay $0x1  }
0xd8: {  	s12 =	simm.s32 @!p0 $0xA800  }
0xd9: {  	[tilespmem:s12], [sflag:$0x1] =	stream.indirect_vreg.gather @!p0 [hbm4b:s20+s11], $0x80, v2, vm1, $0xb8;
	[tilespmem:$0x1A000] =	vst v63  }
0xda: {  	s12 =	simm.s32 @!p0 $0xB000;
	s20 =	rddreg [dreg:$0x1f]  }
0xdb: {  	[tilespmem:s12], [sflag:$0x1] =	stream.indirect_vreg.gather @!p0 [hbm4b:s20+s11], $0x80, v2, vm1, $0xb8;
	[tilespmem:$0x1A000] =	vst v63  }
0xdc: {  	s12 =	simm.s32 @!p0 $0xB800  }
0xdd: {  	[tilespmem:s12], [sflag:$0x1] =	stream.indirect_vreg.gather @!p0 [hbm4b:s1+s11], $0x80, v2, vm1, $0xb8;
	[tilespmem:$0x1A000] =	vst v63  }
0xde: {  	s12 =	simm.s32 @!p0 $0xC000  }
0xdf: {  	[tilespmem:s12], [sflag:$0x1] =	stream.indirect_vreg.gather @!p0 [hbm4b:s2+s11], $0x80, v2, vm1, $0xb8;
	[tilespmem:$0x1A000] =	vst v63  }
0xe0: {  	s12 =	simm.s32 @!p0 $0xC800  }
0xe1: {  	[tilespmem:s12], [sflag:$0x1] =	stream.indirect_vreg.gather @!p0 [hbm4b:s13+s11], $0x80, v2, vm1, $0xb8;
	[tilespmem:$0x1A000] =	vst v63  }
0xe2: {  	s12 =	simm.s32 @!p0 $0xD000  }
0xe3: {  	[tilespmem:s12], [sflag:$0x1] =	stream.indirect_vreg.gather @!p0 [hbm4b:s16+s11], $0x80, v2, vm1, $0xb8;
	[tilespmem:$0x1A000] =	vst v63  }
0xe4: {  	s8 =	sadd.s32 $0x80, s8;
	s12 =	simm.s32 @!p0 $0xD800  }
0xe5: {  	[tilespmem:s12], [sflag:$0x1] =	stream.indirect_vreg.gather @!p0 [hbm4b:s18+s11], $0x80, v2, vm1, $0xb8;
	[tilespmem:$0x1A000] =	vst v63  }
0xe6: {  	p0 =	sne.s32 s8, $0x1000  }
.Ltmp0:
0xe7: {  	s9 =	sadd.s32 s10, s9;
	(pc) =	sbr.rel @p0 .LBB2_2-.Ltmp0, $4  }
0xe8: {  	s7 =	sadd.s32 $0x1, s7;
	s9 =	sadd.s32 $0x60000, s9  }
0xe9: {  	s10 =	simm.s32 $0xE000;
	s9 =	sshrl.u32 s9, $0x3;
	s12 =	smov.u32 s14  }
0xea: {  	s6 =	sadd.s32 $0x100, s6;
	s14 =	simm.s32 $0x80;
	s9 =	sadd.s32 s12, s9  }
0xeb: {  	[hbm4b:s9+s14] =	stream.strided.scatter [tilespmem:s10], [sflag:$0x4], $0xC000, s23, s14, $0x38;
	[tilespmem:$0x1A000] =	vst v63  }
0xec: {  	s7 =	simm.s32 $0x4  }
0xed: {  	_ =	swait.ge [sflag:s7], $0xC000  }
0xee: {  	s8 =	rddreg [dreg:$0x1e]  }
0xef: {  	s6 =	rddreg [dreg:$0x1d]  }
0xf0: {  	s11 =	sld [smem:$0x7F8]  }
0xf1: {  	s14 =	sld [smem:$0x7F9]  }
0xf2: {  	s20 =	sld [smem:$0x7FA];
	s8 =	sadd.s32 $0x1, s8  }
0xf3: {  	s23 =	sld [smem:$0x7FB];
	p0 =	sne.s32 s8, s6  }
.Ltmp1:
0xf4: {  	s10 =	sld [smem:$0x7FC];
	(pc) =	sbr.rel @p0 .LBB2_1-.Ltmp1, $4  }
0xf5: {  	[sflag:s7] =	ssyncset.done $0x0;
	s9 =	rddreg [dreg:$0x1f]  }
0xf6: {  	[sflag:s7] =	ssyncadd.s32 $0xFFFF4000;
	s7 =	sld [smem:$0x7FD]  }
0xf7: {  	[dreg:$0x1e] =	wrdreg s8  }
0xf8: {  	s8 =	rddreg [dreg:$0x1]  }
0xf9: {  	_ =	sfence.sel $0x180000  }
0xfa: {  	[bflag:$0x0] =	sbarrier.arrive $0xFFFF  }
0xfb: {  	_ =	strace $0x90000047  }
0xfc: {  	s0 =	stileid.u32;
	[bflag:$0x2] =	sbarrier.arrive $0xFFFF  }
0xfd: {  	p0 =	sne.s32 s0, $0x0;
	s0 =	rddreg [dreg:$0x3]  }
0xfe: {  	s0 =	sadd.s32 @!p0 $0x100000, s0  }
0xff: {  	[sflag:s0] =	ssyncadd.tile.s32 @!p0 $0x1;
	_ =	shalt  }
.Lfunc_end2:
_tile_overlayer_lowered:
.L_overlay_start_2:
0x100: {  	(tag) =	ssettag $0x2  }
0x101: {  	s0 =	rddreg [dreg:$0x0];
	s2 =	stileid.u32  }
0x102: {  	s1 =	rddreg [dreg:$0x1];
	p0 =	sne.s32 s2, $0x0  }
0x103: {  	s3 =	rddreg [dreg:$0x2];
	[bflag:$0x3] =	sbarrier.arrive $0xFFFF;
	s2 =	simm.s32 @!p0 $0x1C05  }
0x104: {  	[timem:s3], [sflag:s2] =	dma.local @!p0 [hbm:s0], s1  }
0x105: {  	s0 =	simm.s32 @!p0 $0x5  }
0x106: {  	_ =	swait.ge @!p0 [sflag:s0], s1  }
0x107: {  	s1 =	ssub.s32 @!p0 $0x0, s1;
	[sflag:s0] =	ssyncset.done @!p0 $0x0  }
0x108: {  	[sflag:s0] =	ssyncadd.s32 @!p0 s1  }
0x109: {  	[bflag:$0x3] =	sbarrier.arrive $0xFFFF  }
0x10a: {  	_ =	shalt  }

</sc_bundles>
